<compile_context>
chip_gen: v7x
topology: tpu7x:2x2x1
jax: 0.10.2.dev20260603
libtpu: 0.0.44.dev20260713+nightly
codegen_flags: <defaults>
</compile_context>

<pallas_src>
import jax
import jax.numpy as jnp
from jax.experimental import pallas as pl
from jax.experimental.pallas import tpu as pltpu

N = 1048576
D = 32
K = 64
BLOCK = 16384
PACK = 128 // D
B4 = BLOCK // PACK
NP = N // PACK
KW = PACK * K


def _vq_block_kernel(x_ref, w_ref, cbsq_ref, ii_ref, cbg_ref, xq_ref, loss_ref):
    x4 = x_ref[...]
    mm = jax.lax.dot_general(x4, w_ref[...], (((1,), (0,)), ((), ())),
                             preferred_element_type=jnp.float32)
    s = mm + cbsq_ref[...]
    ii = ii_ref[...]
    mins = []
    for j in range(PACK):
        mj = jnp.min(s[:, j * K:(j + 1) * K], axis=1, keepdims=True)
        mins.append(mj)
    mfull = jnp.concatenate(
        [jnp.broadcast_to(mj, (B4, K)) for mj in mins], axis=1)
    sel = jnp.where(s == mfull, ii, float(K))
    idxs = [jnp.min(sel[:, j * K:(j + 1) * K], axis=1, keepdims=True)
            for j in range(PACK)]
    idxfull = jnp.concatenate(
        [jnp.broadcast_to(ij, (B4, K)) for ij in idxs], axis=1)
    onehot = (ii == idxfull).astype(jnp.float32)
    q4 = jax.lax.dot_general(onehot, cbg_ref[...], (((1,), (0,)), ((), ())),
                             preferred_element_type=jnp.float32)
    xq_ref[...] = q4
    psum = sum(jnp.sum(mj) for mj in mins) + jnp.sum(x4 * x4)
    loss_ref[...] = jnp.full((1, 128), psum, jnp.float32)


def kernel(x, codebook):
    x4 = x.reshape(NP, 128)
    eye = jnp.eye(PACK, dtype=jnp.float32)
    w = jnp.kron(eye, -2.0 * codebook.T)
    cbg = jnp.kron(eye, codebook)
    cb_sq = jnp.sum(codebook * codebook, axis=1)[None, :]
    cbsq4 = jnp.tile(cb_sq, (1, PACK))
    ii = (jnp.arange(KW, dtype=jnp.int32) % K).astype(jnp.float32)[None, :]
    grid = NP // B4
    xq4, loss_sum = pl.pallas_call(
        _vq_block_kernel,
        grid=(grid,),
        in_specs=[
            pl.BlockSpec((B4, 128), lambda i: (i, 0)),
            pl.BlockSpec((128, KW), lambda i: (0, 0)),
            pl.BlockSpec((1, KW), lambda i: (0, 0)),
            pl.BlockSpec((1, KW), lambda i: (0, 0)),
            pl.BlockSpec((KW, 128), lambda i: (0, 0)),
        ],
        out_specs=[
            pl.BlockSpec((B4, 128), lambda i: (i, 0)),
            pl.BlockSpec((1, 128), lambda i: (0, i)),
        ],
        out_shape=[
            jax.ShapeDtypeStruct((NP, 128), jnp.float32),
            jax.ShapeDtypeStruct((1, grid * 128), jnp.float32),
        ],
        compiler_params=pltpu.CompilerParams(
            dimension_semantics=("parallel",),
        ),
    )(x4, w, cbsq4, ii, cbg)
    l_vq = (jnp.sum(loss_sum.reshape(grid, 128)[:, 0]) / (N * D)).reshape(())
    return (xq4.reshape(N, D), l_vq)

# --- scband reference (transcript-rebuilt; emitter-appended) ---
"""Pipeline reference for scband-vector-quantizer-24206435680826 (READ-ONLY COPY).

The authoritative reference and input builder live on the scoring server;
editing this copy changes nothing except your own understanding.
"""

import jax, jax.numpy as jnp
import numpy as np

N = 1048576
D = 32
K = 64
COMMITMENT_WEIGHT = 1.0


def setup_inputs(seed: int = 0) -> dict:
    key = jax.random.key(seed)
    k1, k2 = jax.random.split(key)
    x = jax.random.normal(k1, (N, D), dtype=jnp.float32)
    # learned codebook parameter (VectorQuantize._codebook.embed, kmeans-init stand-in)
    codebook = jax.random.normal(k2, (K, D), dtype=jnp.float32)
    return {"x": x, "codebook": codebook}


def reference(x, codebook):
    # Faithful translation of VectorQuantizer.forward in training mode with
    # num_quantizers=1, vector_type='vector' (vector_quantize_pytorch.VectorQuantize):
    #   1) euclidean nearest-codeword search
    #   2) gather quantized vectors from codebook
    #   3) straight-through estimator output
    #   4) commitment loss (mse between x and detached quantized), summed -> l_vq
    x_sq = jnp.sum(x * x, axis=1, keepdims=True)            # [N, 1]
    cb_sq = jnp.sum(codebook * codebook, axis=1)            # [K]
    dist = x_sq - 2.0 * (x @ codebook.T) + cb_sq[None, :]   # [N, K]
    embed_index = jnp.argmin(dist, axis=1)                  # [N] int32
    quantize = jnp.take(codebook, embed_index, axis=0)      # [N, D] gather
    commit_loss = jnp.mean((jax.lax.stop_gradient(quantize) - x) ** 2)
    l_vq = jnp.sum(commit_loss * COMMITMENT_WEIGHT)         # torch.sum(l_vq)
    # straight-through: quantize = x + (quantize - x).detach()
    x_q = x + jax.lax.stop_gradient(quantize - x)
    return (x_q, l_vq)

if __name__ == "__main__":
    import jax
    _d = setup_inputs()
    print(jax.jit(kernel)(*tuple(_d.values())))

</pallas_src>

<mosaic_0001>
module attributes {stable_mosaic.version = 14 : i64} {
  func.func @_vq_block_kernel(%arg0: i32, %arg1: memref<4096x128xf32, #tpu.memory_space<vmem>>, %arg2: memref<128x256xf32, #tpu.memory_space<vmem>>, %arg3: memref<1x256xf32, #tpu.memory_space<vmem>>, %arg4: memref<1x256xf32, #tpu.memory_space<vmem>>, %arg5: memref<256x128xf32, #tpu.memory_space<vmem>>, %arg6: memref<4096x128xf32, #tpu.memory_space<vmem>>, %arg7: memref<1x128xf32, #tpu.memory_space<vmem>>) attributes {dimension_semantics = [#tpu.dimension_semantics<parallel>], iteration_bounds = array<i64: 64>, scalar_prefetch = 0 : i64, scratch_operands = 0 : i64, tpu.core_type = #tpu.core_type<tc>, window_params = [{transform_indices = @transform_0, window_bounds = array<i64: 4096, 128>}, {pipeline_mode = #tpu.pipeline_mode<synchronous>, transform_indices = @transform_1, window_bounds = array<i64: 128, 256>}, {pipeline_mode = #tpu.pipeline_mode<synchronous>, transform_indices = @transform_2, window_bounds = array<i64: 1, 256>}, {pipeline_mode = #tpu.pipeline_mode<synchronous>, transform_indices = @transform_3, window_bounds = array<i64: 1, 256>}, {pipeline_mode = #tpu.pipeline_mode<synchronous>, transform_indices = @transform_4, window_bounds = array<i64: 256, 128>}, {transform_indices = @transform_5, window_bounds = array<i64: 4096, 128>}, {transform_indices = @transform_6, window_bounds = array<i64: 1, 128>}]} {
    %get3A = arith.constant 0 : index
    %get3A_0 = arith.constant 0 : index
    %get3A_1 = vector.load %arg1[%get3A, %get3A_0] : memref<4096x128xf32, #tpu.memory_space<vmem>>, vector<4096x128xf32>
    %get3A_2 = arith.constant 0 : index
    %get3A_3 = arith.constant 0 : index
    %get3A_4 = vector.load %arg2[%get3A_2, %get3A_3] : memref<128x256xf32, #tpu.memory_space<vmem>>, vector<128x256xf32>
    %dot_general3A = arith.constant dense<0.000000e+00> : vector<4096x256xf32>
    %dot_general3A_5 = tpu.matmul %get3A_1, %get3A_4, %dot_general3A {dimension_numbers = #tpu.dot_dimension_numbers<[1], [0], [0], [1], [0, 0, 1, 1], [], []>, transpose_lhs_hint = false} : vector<4096x128xf32>, vector<128x256xf32>, vector<4096x256xf32> -> vector<4096x256xf32>
    %get3A_6 = arith.constant 0 : index
    %get3A_7 = arith.constant 0 : index
    %get3A_8 = vector.load %arg3[%get3A_6, %get3A_7] : memref<1x256xf32, #tpu.memory_space<vmem>>, vector<1x256xf32>
    %add3A = vector.broadcast %get3A_8 : vector<1x256xf32> to vector<4096x256xf32>
    %add3A_9 = arith.addf %dot_general3A_5, %add3A : vector<4096x256xf32>
    %get3A_10 = arith.constant 0 : index
    %get3A_11 = arith.constant 0 : index
    %get3A_12 = vector.load %arg4[%get3A_10, %get3A_11] : memref<1x256xf32, #tpu.memory_space<vmem>>, vector<1x256xf32>
    %slice3A = vector.extract_strided_slice %add3A_9 {offsets = [0, 0], sizes = [4096, 64], strides = [1, 1]} : vector<4096x256xf32> to vector<4096x64xf32>
    %reduce_min3A = arith.constant dense<0x7F800000> : vector<4096xf32>
    %reduce_min3A_13 = vector.multi_reduction <minimumf>, %slice3A, %reduce_min3A [1] : vector<4096x64xf32> to vector<4096xf32>
    %broadcast_in_dim3A = vector.shape_cast %reduce_min3A_13 : vector<4096xf32> to vector<4096x1xf32>
    %slice3A_14 = vector.extract_strided_slice %add3A_9 {offsets = [0, 64], sizes = [4096, 64], strides = [1, 1]} : vector<4096x256xf32> to vector<4096x64xf32>
    %reduce_min3A_15 = arith.constant dense<0x7F800000> : vector<4096xf32>
    %reduce_min3A_16 = vector.multi_reduction <minimumf>, %slice3A_14, %reduce_min3A_15 [1] : vector<4096x64xf32> to vector<4096xf32>
    %broadcast_in_dim3A_17 = vector.shape_cast %reduce_min3A_16 : vector<4096xf32> to vector<4096x1xf32>
    %slice3A_18 = vector.extract_strided_slice %add3A_9 {offsets = [0, 128], sizes = [4096, 64], strides = [1, 1]} : vector<4096x256xf32> to vector<4096x64xf32>
    %reduce_min3A_19 = arith.constant dense<0x7F800000> : vector<4096xf32>
    %reduce_min3A_20 = vector.multi_reduction <minimumf>, %slice3A_18, %reduce_min3A_19 [1] : vector<4096x64xf32> to vector<4096xf32>
    %broadcast_in_dim3A_21 = vector.shape_cast %reduce_min3A_20 : vector<4096xf32> to vector<4096x1xf32>
    %slice3A_22 = vector.extract_strided_slice %add3A_9 {offsets = [0, 192], sizes = [4096, 64], strides = [1, 1]} : vector<4096x256xf32> to vector<4096x64xf32>
    %reduce_min3A_23 = arith.constant dense<0x7F800000> : vector<4096xf32>
    %reduce_min3A_24 = vector.multi_reduction <minimumf>, %slice3A_22, %reduce_min3A_23 [1] : vector<4096x64xf32> to vector<4096xf32>
    %broadcast_in_dim3A_25 = vector.shape_cast %reduce_min3A_24 : vector<4096xf32> to vector<4096x1xf32>
    %broadcast_in_dim3A_26 = vector.shape_cast %broadcast_in_dim3A : vector<4096x1xf32> to vector<4096x1xf32>
    %broadcast_in_dim3A_27 = vector.broadcast %broadcast_in_dim3A_26 : vector<4096x1xf32> to vector<4096x64xf32>
    %broadcast_in_dim3A_28 = vector.shape_cast %broadcast_in_dim3A_17 : vector<4096x1xf32> to vector<4096x1xf32>
    %broadcast_in_dim3A_29 = vector.broadcast %broadcast_in_dim3A_28 : vector<4096x1xf32> to vector<4096x64xf32>
    %broadcast_in_dim3A_30 = vector.shape_cast %broadcast_in_dim3A_21 : vector<4096x1xf32> to vector<4096x1xf32>
    %broadcast_in_dim3A_31 = vector.broadcast %broadcast_in_dim3A_30 : vector<4096x1xf32> to vector<4096x64xf32>
    %broadcast_in_dim3A_32 = vector.shape_cast %broadcast_in_dim3A_25 : vector<4096x1xf32> to vector<4096x1xf32>
    %broadcast_in_dim3A_33 = vector.broadcast %broadcast_in_dim3A_32 : vector<4096x1xf32> to vector<4096x64xf32>
    %concatenate3A = tpu.concatenate %broadcast_in_dim3A_27, %broadcast_in_dim3A_29, %broadcast_in_dim3A_31, %broadcast_in_dim3A_33 in 1 : vector<4096x64xf32>, vector<4096x64xf32>, vector<4096x64xf32>, vector<4096x64xf32> -> vector<4096x256xf32>
    %eq3A = arith.cmpf oeq, %add3A_9, %concatenate3A : vector<4096x256xf32>
    %jit3A = arith.constant 6.400000e+01 : f32
    %broadcast_in_dim3A_34 = vector.shape_cast %get3A_12 : vector<1x256xf32> to vector<1x256xf32>
    %broadcast_in_dim3A_35 = vector.broadcast %broadcast_in_dim3A_34 : vector<1x256xf32> to vector<4096x256xf32>
    %broadcast_in_dim3A_36 = vector.broadcast %jit3A : f32 to vector<4096x256xf32>
    %select_n3A = arith.select %eq3A, %broadcast_in_dim3A_35, %broadcast_in_dim3A_36 : vector<4096x256xi1>, vector<4096x256xf32>
    %slice3A_37 = vector.extract_strided_slice %select_n3A {offsets = [0, 0], sizes = [4096, 64], strides = [1, 1]} : vector<4096x256xf32> to vector<4096x64xf32>
    %reduce_min3A_38 = arith.constant dense<0x7F800000> : vector<4096xf32>
    %reduce_min3A_39 = vector.multi_reduction <minimumf>, %slice3A_37, %reduce_min3A_38 [1] : vector<4096x64xf32> to vector<4096xf32>
    %broadcast_in_dim3A_40 = vector.shape_cast %reduce_min3A_39 : vector<4096xf32> to vector<4096x1xf32>
    %slice3A_41 = vector.extract_strided_slice %select_n3A {offsets = [0, 64], sizes = [4096, 64], strides = [1, 1]} : vector<4096x256xf32> to vector<4096x64xf32>
    %reduce_min3A_42 = arith.constant dense<0x7F800000> : vector<4096xf32>
    %reduce_min3A_43 = vector.multi_reduction <minimumf>, %slice3A_41, %reduce_min3A_42 [1] : vector<4096x64xf32> to vector<4096xf32>
    %broadcast_in_dim3A_44 = vector.shape_cast %reduce_min3A_43 : vector<4096xf32> to vector<4096x1xf32>
    %slice3A_45 = vector.extract_strided_slice %select_n3A {offsets = [0, 128], sizes = [4096, 64], strides = [1, 1]} : vector<4096x256xf32> to vector<4096x64xf32>
    %reduce_min3A_46 = arith.constant dense<0x7F800000> : vector<4096xf32>
    %reduce_min3A_47 = vector.multi_reduction <minimumf>, %slice3A_45, %reduce_min3A_46 [1] : vector<4096x64xf32> to vector<4096xf32>
    %broadcast_in_dim3A_48 = vector.shape_cast %reduce_min3A_47 : vector<4096xf32> to vector<4096x1xf32>
    %slice3A_49 = vector.extract_strided_slice %select_n3A {offsets = [0, 192], sizes = [4096, 64], strides = [1, 1]} : vector<4096x256xf32> to vector<4096x64xf32>
    %reduce_min3A_50 = arith.constant dense<0x7F800000> : vector<4096xf32>
    %reduce_min3A_51 = vector.multi_reduction <minimumf>, %slice3A_49, %reduce_min3A_50 [1] : vector<4096x64xf32> to vector<4096xf32>
    %broadcast_in_dim3A_52 = vector.shape_cast %reduce_min3A_51 : vector<4096xf32> to vector<4096x1xf32>
    %broadcast_in_dim3A_53 = vector.shape_cast %broadcast_in_dim3A_40 : vector<4096x1xf32> to vector<4096x1xf32>
    %broadcast_in_dim3A_54 = vector.broadcast %broadcast_in_dim3A_53 : vector<4096x1xf32> to vector<4096x64xf32>
    %broadcast_in_dim3A_55 = vector.shape_cast %broadcast_in_dim3A_44 : vector<4096x1xf32> to vector<4096x1xf32>
    %broadcast_in_dim3A_56 = vector.broadcast %broadcast_in_dim3A_55 : vector<4096x1xf32> to vector<4096x64xf32>
    %broadcast_in_dim3A_57 = vector.shape_cast %broadcast_in_dim3A_48 : vector<4096x1xf32> to vector<4096x1xf32>
    %broadcast_in_dim3A_58 = vector.broadcast %broadcast_in_dim3A_57 : vector<4096x1xf32> to vector<4096x64xf32>
    %broadcast_in_dim3A_59 = vector.shape_cast %broadcast_in_dim3A_52 : vector<4096x1xf32> to vector<4096x1xf32>
    %broadcast_in_dim3A_60 = vector.broadcast %broadcast_in_dim3A_59 : vector<4096x1xf32> to vector<4096x64xf32>
    %concatenate3A_61 = tpu.concatenate %broadcast_in_dim3A_54, %broadcast_in_dim3A_56, %broadcast_in_dim3A_58, %broadcast_in_dim3A_60 in 1 : vector<4096x64xf32>, vector<4096x64xf32>, vector<4096x64xf32>, vector<4096x64xf32> -> vector<4096x256xf32>
    %eq3A_62 = vector.broadcast %get3A_12 : vector<1x256xf32> to vector<4096x256xf32>
    %eq3A_63 = arith.cmpf oeq, %eq3A_62, %concatenate3A_61 : vector<4096x256xf32>
    %convert_element_type3A = arith.extui %eq3A_63 : vector<4096x256xi1> to vector<4096x256xi32>
    %convert_element_type3A_64 = arith.sitofp %convert_element_type3A : vector<4096x256xi32> to vector<4096x256xf32>
    %get3A_65 = arith.constant 0 : index
    %get3A_66 = arith.constant 0 : index
    %get3A_67 = vector.load %arg5[%get3A_65, %get3A_66] : memref<256x128xf32, #tpu.memory_space<vmem>>, vector<256x128xf32>
    %dot_general3A_68 = arith.constant dense<0.000000e+00> : vector<4096x128xf32>
    %dot_general3A_69 = tpu.matmul %convert_element_type3A_64, %get3A_67, %dot_general3A_68 {dimension_numbers = #tpu.dot_dimension_numbers<[1], [0], [0], [1], [0, 0, 1, 1], [], []>, transpose_lhs_hint = false} : vector<4096x256xf32>, vector<256x128xf32>, vector<4096x128xf32> -> vector<4096x128xf32>
    %swap3A = arith.constant 0 : index
    %swap3A_70 = arith.constant 0 : index
    %swap3A_71 = vector.load %arg6[%swap3A, %swap3A_70] : memref<4096x128xf32, #tpu.memory_space<vmem>>, vector<4096x128xf32>
    tpu.vector_store %arg6[%swap3A, %swap3A_70], %dot_general3A_69 {strides = array<i32>} : memref<4096x128xf32, #tpu.memory_space<vmem>>, vector<4096x128xf32>,
    %reduce_sum3A = vector.shape_cast %broadcast_in_dim3A : vector<4096x1xf32> to vector<1x4096x1xf32>
    %reduce_sum3A_72 = arith.constant dense<0.000000e+00> : vector<1xf32>
    %reduce_sum3A_73 = vector.multi_reduction <add>, %reduce_sum3A, %reduce_sum3A_72 [1, 2] : vector<1x4096x1xf32> to vector<1xf32>
    %reduce_sum3A_74 = vector.shape_cast %reduce_sum3A_73 : vector<1xf32> to vector<1x1x1xf32>
    %reduce_sum3A_75 = vector.extract %reduce_sum3A_74[0, 0, 0] : f32 from vector<1x1x1xf32>
    %add3A_76 = arith.constant 0.000000e+00 : f32
    %add3A_77 = arith.addf %add3A_76, %reduce_sum3A_75 : f32
    %reduce_sum3A_78 = vector.shape_cast %broadcast_in_dim3A_17 : vector<4096x1xf32> to vector<1x4096x1xf32>
    %reduce_sum3A_79 = arith.constant dense<0.000000e+00> : vector<1xf32>
    %reduce_sum3A_80 = vector.multi_reduction <add>, %reduce_sum3A_78, %reduce_sum3A_79 [1, 2] : vector<1x4096x1xf32> to vector<1xf32>
    %reduce_sum3A_81 = vector.shape_cast %reduce_sum3A_80 : vector<1xf32> to vector<1x1x1xf32>
    %reduce_sum3A_82 = vector.extract %reduce_sum3A_81[0, 0, 0] : f32 from vector<1x1x1xf32>
    %add3A_83 = arith.addf %add3A_77, %reduce_sum3A_82 : f32
    %reduce_sum3A_84 = vector.shape_cast %broadcast_in_dim3A_21 : vector<4096x1xf32> to vector<1x4096x1xf32>
    %reduce_sum3A_85 = arith.constant dense<0.000000e+00> : vector<1xf32>
    %reduce_sum3A_86 = vector.multi_reduction <add>, %reduce_sum3A_84, %reduce_sum3A_85 [1, 2] : vector<1x4096x1xf32> to vector<1xf32>
    %reduce_sum3A_87 = vector.shape_cast %reduce_sum3A_86 : vector<1xf32> to vector<1x1x1xf32>
    %reduce_sum3A_88 = vector.extract %reduce_sum3A_87[0, 0, 0] : f32 from vector<1x1x1xf32>
    %add3A_89 = arith.addf %add3A_83, %reduce_sum3A_88 : f32
    %reduce_sum3A_90 = vector.shape_cast %broadcast_in_dim3A_25 : vector<4096x1xf32> to vector<1x4096x1xf32>
    %reduce_sum3A_91 = arith.constant dense<0.000000e+00> : vector<1xf32>
    %reduce_sum3A_92 = vector.multi_reduction <add>, %reduce_sum3A_90, %reduce_sum3A_91 [1, 2] : vector<1x4096x1xf32> to vector<1xf32>
    %reduce_sum3A_93 = vector.shape_cast %reduce_sum3A_92 : vector<1xf32> to vector<1x1x1xf32>
    %reduce_sum3A_94 = vector.extract %reduce_sum3A_93[0, 0, 0] : f32 from vector<1x1x1xf32>
    %add3A_95 = arith.addf %add3A_89, %reduce_sum3A_94 : f32
    %mul3A = arith.mulf %get3A_1, %get3A_1 : vector<4096x128xf32>
    %reduce_sum3A_96 = vector.shape_cast %mul3A : vector<4096x128xf32> to vector<1x4096x128xf32>
    %reduce_sum3A_97 = arith.constant dense<0.000000e+00> : vector<1xf32>
    %reduce_sum3A_98 = vector.multi_reduction <add>, %reduce_sum3A_96, %reduce_sum3A_97 [1, 2] : vector<1x4096x128xf32> to vector<1xf32>
    %reduce_sum3A_99 = vector.shape_cast %reduce_sum3A_98 : vector<1xf32> to vector<1x1x1xf32>
    %reduce_sum3A_100 = vector.extract %reduce_sum3A_99[0, 0, 0] : f32 from vector<1x1x1xf32>
    %add3A_101 = arith.addf %add3A_95, %reduce_sum3A_100 : f32
    %broadcast_in_dim3A_102 = vector.broadcast %add3A_101 : f32 to vector<1x128xf32>
    %swap3A_103 = arith.constant 0 : index
    %swap3A_104 = arith.constant 0 : index
    %swap3A_105 = vector.load %arg7[%swap3A_103, %swap3A_104] : memref<1x128xf32, #tpu.memory_space<vmem>>, vector<1x128xf32>
    tpu.vector_store %arg7[%swap3A_103, %swap3A_104], %broadcast_in_dim3A_102 {strides = array<i32>} : memref<1x128xf32, #tpu.memory_space<vmem>>, vector<1x128xf32>,
    return
  }
  func.func @transform_0(%arg0: i32) -> (i32, i32) {
    %c0_i32 = arith.constant 0 : i32
    %c0_i32_0 = arith.constant 0 : i32
    return %arg0, %c0_i32 : i32, i32
  }
  func.func @transform_1(%arg0: i32) -> (i32, i32) {
    %c0_i32 = arith.constant 0 : i32
    %c0_i32_0 = arith.constant 0 : i32
    %c0_i32_1 = arith.constant 0 : i32
    return %c0_i32, %c0_i32_0 : i32, i32
  }
  func.func @transform_2(%arg0: i32) -> (i32, i32) {
    %c0_i32 = arith.constant 0 : i32
    %c0_i32_0 = arith.constant 0 : i32
    %c0_i32_1 = arith.constant 0 : i32
    return %c0_i32, %c0_i32_0 : i32, i32
  }
  func.func @transform_3(%arg0: i32) -> (i32, i32) {
    %c0_i32 = arith.constant 0 : i32
    %c0_i32_0 = arith.constant 0 : i32
    %c0_i32_1 = arith.constant 0 : i32
    return %c0_i32, %c0_i32_0 : i32, i32
  }
  func.func @transform_4(%arg0: i32) -> (i32, i32) {
    %c0_i32 = arith.constant 0 : i32
    %c0_i32_0 = arith.constant 0 : i32
    %c0_i32_1 = arith.constant 0 : i32
    return %c0_i32, %c0_i32_0 : i32, i32
  }
  func.func @transform_5(%arg0: i32) -> (i32, i32) {
    %c0_i32 = arith.constant 0 : i32
    %c0_i32_0 = arith.constant 0 : i32
    return %arg0, %c0_i32 : i32, i32
  }
  func.func @transform_6(%arg0: i32) -> (i32, i32) {
    %c0_i32 = arith.constant 0 : i32
    %c0_i32_0 = arith.constant 0 : i32
    return %c0_i32, %arg0 : i32, i32
  }
}

</mosaic_0001>

<sc_bundles>
// kernel: sparse-core-data-format-call.cloned.1.call-start
scs
called_computation_lowered:
.L_overlay_start_0:
0x0: {  	s2 =	sld [smem:$0x3FD9]  }
0x1: {  	s3 =	sld [smem:$0x3FFE];
	_ =	sdelay $0x1  }
0x2: {  	s1 =	srdreg.scid  }
0x3: {  	s0 =	sand.u32 $0x1, s1  }
0x4: {  	s15 =	sshll.u32 s0, $0xA;
	s2 =	sadd.s32 s3, s2  }
0x5: {  	s2 =	sadd.s32 s2, s15  }
0x6: {  	[smem:$0x3FC6] =	sst s2  }
0x7: {  	_ = 	snop  }
0x8: {  	s2 =	sld [smem:$0x3FD0];
	_ =	sdelay $0x2  }
0x9: {  	s16 =	simm.s32 $0xA;
	s4 =	simm.s32 $0x10  }
0xa: {  	[smem:s4], [sflag:s16] =	dma.local [hbm:s2], $0x1  }
0xb: {  	_ =	swait.eq [sflag:s16], $0x1  }
0xc: {  	[sflag:s16] =	ssyncset.done $0x0  }
0xd: {  	[sflag:s16] =	ssyncadd.s32 $0xFFFFFFFF  }
0xe: {  	s17 =	sld [smem:$0x10];
	(tm) =	ssettm $0x1  }
0xf: {  	s18 =	sld [smem:$0x3FFB];
	_ =	sdelay $0x3  }
0x10: {  	_ =	strace s18  }
0x11: {  	s3 =	sld [smem:$0x3FFC];
	_ =	sdelay $0x3  }
0x12: {  	_ =	strace s3  }
0x13: {  	s3 =	sld [smem:$0x3FFD];
	_ =	sdelay $0x3  }
0x14: {  	_ =	strace s3  }
0x15: {  	_ =	strace $0x8FFFFFFF  }
0x16: {  	s19 =	sld [smem:$0x3FDB];
	_ =	sdelay $0x1  }
0x17: {  	s20 =	simm.s32 $_scs_section_size  }
0x18: {  	s5 =	simm.s32 $_size__tile_overlayer_lowered;
	s6 =	simm.s32 $_tile_overlayer_lowered  }
0x19: {  	s23 =	simm.s32 $0x1BFF;
	s22 =	sshll.u32 s6, $0x1;
	s3 =	sadd.s32 s20, s19  }
0x1a: {  	s7 =	simm.s32 $0x0;
	s21 =	sshll.u32 s5, $0x1;
	s5 =	sadd.s32 s22, s3  }
0x1b: {  	[timem:s7], [sflag:s23] =	dma.local [hbm:s5], s21  }
0x1c: {  	_ =	swait.ge [sflag:s23], s21  }
0x1d: {  	s4 =	ssub.s32 $0x0, s21;
	[sflag:s23] =	ssyncset.done $0x0  }
0x1e: {  	[sflag:s23] =	ssyncadd.s32 s4;
	_ =	sdelay $0x1  }
0x1f: {  	s24 =	simm.s32 $0x1B8B  }
0x20: {  	_ =	swait.ge [sflag:s24], $0x1  }
0x21: {  	[sflag:s24] =	ssyncset.done $0x0  }
0x22: {  	s26 =	simm.s32 $0x1B8E;
	s25 =	sld [smem:$0x3FFE];
	[sflag:s24] =	ssyncadd.s32 $0xFFFFFFFF  }
0x23: {  	s27 =	simm.s32 $execute0_lowered;
	[smem:$0x3FD2] =	sst s26  }
0x24: {  	s5 =	sshll.u32 s27, $0x1;
	_ =	strace $0x80000046;
	[dreg:$0x1] =	wrdreg $0xFFFFFFFF  }
0x25: {  	s28 =	simm.s32 $_size_execute0_lowered;
	s3 =	sadd.s32 s3, s5;
	[dreg:$0x0] =	wrdreg $0x0  }
0x26: {  	s5 =	sshll.u32 s28, $0x1;
	[dreg:$0x2] =	wrdreg s3  }
0x27: {  	[dreg:$0x3] =	wrdreg s5  }
0x28: {  	[dreg:$0x4] =	wrdreg $0xC0  }
0x29: {  	_ =	task [dreg:s7], $0x5FFFF  }
0x2a: {  	[dreg:$0x1] =	wrdreg $0xFFFFFFFF  }
0x2b: {  	[dreg:$0x0] =	wrdreg $0x60  }
0x2c: {  	[dreg:$0x2] =	wrdreg s25  }
0x2d: {  	[dreg:$0x3] =	wrdreg s17  }
0x2e: {  	[dreg:$0x4] =	wrdreg $0x9  }
0x2f: {  	_ =	task.clear_ibuf [dreg:s7], $0x5FFFF;
	_ =	strace $0x90000046  }
0x30: {  	s29 =	simm.s32 $0x9;
	_ =	strace $0x80000048  }
0x31: {  	_ =	swait.ge [sflag:s29], $0x1  }
0x32: {  	[sflag:s29] =	ssyncadd.s32 $0xFFFFFFFF  }
0x33: {  	_ =	strace $0x90000048  }
0x34: {  	_ =	sfence  }
0x35: {  	s30 =	sld [smem:$0x0];
	_ =	sdelay $0x2  }
0x36: {  	s31 =	sshll.u32 s1, $0xD;
	s1 =	sshrl.u32 s1, $0x2  }
0x37: {  	s3 =	sand.u32 $0x4000, s31;
	s1 =	sadd.s32 s1, s30  }
0x38: {  	s0 =	sor.u32 s3, s0;
	s1 =	sshll.u32 s1, $0x11  }
0x39: {  	s0 =	sor.u32 s1, s0  }
0x3a: {  	s0 =	sadd.s32 $0x8F2B, s0  }
0x3b: {  	[sflag:s0] =	ssyncadd.remote.s32 $0x1  }
0x3c: {  	_ =	sfence.sel $0xFFFF  }
0x3d: {  	[dreg:$0x0] =	wrdreg $0xFFFFFFFF;
	(pc) =	sbr.abs _section_cstart, $3  }
0x3e: {  	[dreg:$0x1] =	wrdreg $0xFFFFFFFF  }
0x3f: {  	_ =	task.clear_ibuf [dreg:s7], $0x2FFFF;
	_ =	strace $0x9FFFFFFF  }
0x40: {  	(tm) =	ssettm $0x7FFFFFFF  }
0x41: {  	_ =	shalt  }
tec
execute0_lowered:
.L_overlay_start_1:
0x0: {  	(tag) =	ssettag $0x1  }
0x1: {  	s0 =	srdreg.scid  }
0x2: {  	s1 =	sshll.u32 s0, $0x4  }
0x3: {  	s4 =	rddreg [dreg:$0x0];
	s0 =	stileid.u32;
	s1 =	sand.u32 $0x10, s1  }
0x4: {  	s2 =	rddreg [dreg:$0x1];
	s7 =	simm.s32 $0x1;
	s1 =	sor.u32 s0, s1  }
0x5: {  	s8 =	simm.s32 $0x2;
	s11 =	simm.s32 $0x0;
	s3 =	sshll.u32 s1, $0x7  }
0x6: {  	s10 =	simm.s32 $0x0;
	s4 =	sadd.s32 $0x401000, s4;
	s6 =	ssub.s32 $0x100000, s3  }
.Ltmp0:
0x7: {  	s1 =	rddreg [dreg:$0x2];
	s5 =	sand.u32 $0xF80, s6;
	(pc) =	sbr.rel .LBB1_1-.Ltmp0, $4  }
0x8: {  	_ =	strace $0x80000047;
	s9 =	smov.u32 s3;
	p0 =	sne.s32 s5, $0x0  }
0x9: {  	s6 =	sshrl.u32 s6, $0xC;
	s5 =	simm.s32 $0x1;
	s7 =	simm.s32 @!p0 $0x0  }
0xa: {  	[sflag:s5] =	ssyncpa.u1 $0x0;
	p0 =	por $0x0, $0x0;
	s6 =	sadd.s32 s7, s6  }
0xb: {  	[sflag:s8] =	ssyncpa.u1 $0x0;
	s8 =	simm.s32 $0x800000;
	s7 =	sadd.s32 $0x1, s6  }
.LBB1_4:
0xc: {  	s13 =	sshll.u32 s11, $0x3  }
0xd: {  	s15 =	sand.u32 $0x78, s11;
	s13 =	sand.u32 $0xFFC00, s13  }
0xe: {  	s30 =	sand.u32 $0x3E0000, s11;
	s31 =	sand.u32 $0x7, s11;
	s13 =	sor.u32 s15, s13  }
0xf: {  	s11 =	sshll.u32 s31, $0x12;
	s15 =	sadd.s32 s2, s30;
	s13 =	sshrl.u32 s13, $0x3  }
0x10: {  	[tilespmem:s14+$0x0 ss:$0x81] =	vst.msk $0xffff, v0;
	s11 =	sor.u32 $0x400, s11;
	s13 =	sadd.s32 s13, s15  }
0x11: {  	[hbm4b:s13+s11] =	stream.strided.scatter [tilespmem:s12], [sflag:$0x2], $0x1000, s8, s11, $0x20;
	[tilespmem:$0x4040] =	vst v63  }
.LBB1_5:
0x12: {  	s13 =	sadd.s32 $0x1000, s9  }
0x13: {  	p2 =	sgt.s32 s13, $0xFFFFF  }
0x14: {  	s13 =	smov.u32 @p2 s3;
	p2 =	sne.s32 s10, s7  }
.Ltmp1:
0x15: {  	p1 =	slt.u32 s10, $0x2;
	(pc) =	sbr.rel @!p2 .LBB1_6-.Ltmp1, $4  }
0x16: {  	s12 =	simm.s32 @!p1 $0x2  }
0x17: {  	s14 =	sadd.s32 $0x1, s10;
	_ =	swait.ge @!p1 [sflag:s12], $0x1000  }
0x18: {  	s11 =	smov.u32 s9;
	p0 =	por !p0, !p0;
	[sflag:s12] =	ssyncset.done @!p1 $0x0  }
0x19: {  	s10 =	smov.u32 s14;
	s9 =	smov.u32 s13;
	[sflag:s12] =	ssyncadd.s32 @!p1 $0xFFFFF000  }
.LBB1_1:
0x1a: {  	p1 =	sge.u32 s10, s6  }
0x1b: {  	s31 =	sadd.s32 $0xFFFFFFFF, s10;
	s12 =	sxor.u32 @!p1 $0xFFFFFFFF, s10;
	s13 =	sshll.u32 @!p1 s9, $0x4  }
0x1c: {  	s14 =	simm.s32 @!p1 $0x20;
	s12 =	sshll.u32 @!p1 s12, $0xC;
	s13 =	sand.u32 @!p1 $0xFFFFF0, s13  }
0x1d: {  	s15 =	simm.s32 @!p1 $0x80;
	s12 =	sand.u32 @!p1 $0x1000, s12;
	s13 =	sadd.s32 @!p1 s4, s13  }
0x1e: {  	[tilespmem:s12], [sflag:$0x1] =	stream.strided.gather @!p1 [hbm4b:s13+s14], $0x1000, s15, s14, $0x38;
	[tilespmem:$0x4040] =	vst v63  }
0x1f: {  	p1 =	sge.u32 s31, s6  }
.Ltmp2:
0x20: {  	_ = 	snop;
	(pc) =	sbr.rel @p1 .LBB1_5-.Ltmp2, $1  }
0x21: {  	_ =	sdelay $0x3  }
0x22: {  	s12 =	simm.s32 $0x1  }
0x23: {  	_ =	swait.ge [sflag:s5], $0x1000;
	s12 =	simm.s32 @!p0 $0x0  }
0x24: {  	[sflag:s5] =	ssyncset.done $0x0;
	s13 =	sshll.u32 s12, $0xC  }
0x25: {  	[sflag:s5] =	ssyncadd.s32 $0xFFFFF000;
	s16 =	sor.u32 $0x10, s13  }
0x26: {  	s12 =	smul.u32 $0x4080, s12;
	v1 =	vld [tilespmem:s16+$0x0]  }
0x27: {  	s30 =	sand.u32 $0x1, s10;
	v0 =	vld [tilespmem:s16+$0xFFFFFFF0]  }
0x28: {  	s14 =	smul.u32 $0x4080, s30;
	s12 =	sshrl.u32 s12, $0x2  }
0x29: {  	s13 =	sor.u32 $0x2000, s12  }
0x2a: {  	s31 =	sshrl.u32 s14, $0x2;
	s14 =	sadd.s32 $0x0, s13  }
0x2b: {  	s15 =	simm.s32 $0x4;
	s16 =	sadd.s32 $0x20, s16;
	s12 =	sor.u32 $0x2000, s31;
	[tilespmem:s14+$0x810 ss:$0x81] =	vst.msk $0xffff, v1  }
.LBB1_3:
0x2c: {  	v1 =	vld [tilespmem:s16+$0x0];
	p1 =	sne.s32 s15, $0x1FC;
	[tilespmem:s14+$0x0 ss:$0x81] =	vst.msk $0xffff, v0;
	s14 =	smov.u32 s15;
	s15 =	sadd.s32 $0x4, s15  }
.Ltmp3:
0x2d: {  	v0 =	vld [tilespmem:s16+$0xFFFFFFF0];
	(pc) =	sbr.rel @p1 .LBB1_3-.Ltmp3, $4  }
0x2e: {  	_ = 	snop  }
0x2f: {  	s14 =	sshra.s32 s14, $0x2  }
0x30: {  	s14 =	sadd.s32 s14, s13  }
0x31: {  	s16 =	sadd.s32 $0x20, s16;
	[tilespmem:s14+$0x810 ss:$0x81] =	vst.msk $0xffff, v1  }
.Ltmp4:
0x32: {  	_ = 	snop;
	(pc) =	sbr.rel .LBB1_4-.Ltmp4, $1  }
0x33: {  	_ =	sdelay $0x3  }
.LBB1_6:
0x34: {  	_ =	sfence.sel $0x180000  }
0x35: {  	s2 =	simm.s32 $0x1;
	[bflag:$0x0] =	sbarrier.arrive $0xFFFF  }
0x36: {  	s31 =	simm.s32 $0x2;
	[sflag:s2] =	ssyncpa.u1 $0x1  }
0x37: {  	[sflag:s31] =	ssyncpa.u1 $0x1  }
0x38: {  	p0 =	sne.s32 s0, $0x0;
	_ =	strace $0x90000047  }
0x39: {  	s0 =	sadd.s32 @!p0 $0x100000, s1;
	[bflag:$0x2] =	sbarrier.arrive $0xFFFF  }
0x3a: {  	[sflag:s0] =	ssyncadd.tile.s32 @!p0 $0x1;
	_ =	shalt  }
.Lfunc_end1:
_tile_overlayer_lowered:
.L_overlay_start_2:
0x3b: {  	(tag) =	ssettag $0x2  }
0x3c: {  	s0 =	rddreg [dreg:$0x0];
	s2 =	stileid.u32  }
0x3d: {  	s1 =	rddreg [dreg:$0x1];
	p0 =	sne.s32 s2, $0x0  }
0x3e: {  	s3 =	rddreg [dreg:$0x2];
	[bflag:$0x3] =	sbarrier.arrive $0xFFFF;
	s2 =	simm.s32 @!p0 $0x1C01  }
0x3f: {  	[timem:s3], [sflag:s2] =	dma.local @!p0 [hbm:s0], s1  }
0x40: {  	s0 =	simm.s32 @!p0 $0x1  }
0x41: {  	_ =	swait.ge @!p0 [sflag:s0], s1  }
0x42: {  	s1 =	ssub.s32 @!p0 $0x0, s1;
	[sflag:s0] =	ssyncset.done @!p0 $0x0  }
0x43: {  	[sflag:s0] =	ssyncadd.s32 @!p0 s1  }
0x44: {  	[bflag:$0x3] =	sbarrier.arrive $0xFFFF  }
0x45: {  	_ =	shalt  }

</sc_bundles>
